<compile_context>
chip_gen: v7x
topology: tpu7x:2x2x1
jax: 0.10.2.dev20260603
libtpu: 0.0.44.dev20260713+nightly
codegen_flags: <defaults>
</compile_context>

<pallas_src>
import functools

import jax
import jax.numpy as jnp
from jax import lax
from jax.experimental import pallas as pl
from jax.experimental.pallas import tpu as pltpu
from jax.experimental.pallas import tpu_sc as plsc

_B = 16384
_D = 32

_info = plsc.get_sparse_core_info()
_NC = _info.num_cores
_NS = _info.num_subcores
_NW = _NC * _NS
_BPW = _B // _NW

_mesh = plsc.VectorSubcoreMesh(core_axis_name="c", subcore_axis_name="s")


@functools.partial(
    pl.kernel,
    mesh=_mesh,
    out_type=jax.ShapeDtypeStruct((4 * _B, _D), jnp.float32),
    compiler_params=pltpu.CompilerParams(use_tc_tiling_on_sc=False,
                                         needs_layout_passes=False),
    scratch_types=[
        pltpu.VMEM((_BPW,), jnp.int32),
        pltpu.VMEM((_BPW,), jnp.int32),
        pltpu.VMEM((_BPW,), jnp.int32),
        pltpu.VMEM((_BPW,), jnp.int32),
        pltpu.VMEM((_BPW, _D), jnp.float32),
        pltpu.VMEM((_BPW, _D), jnp.float32),
        pltpu.VMEM((_BPW, _D), jnp.float32),
        pltpu.VMEM((_BPW, _D), jnp.float32),
        pltpu.SemaphoreType.DMA,
        pltpu.SemaphoreType.DMA,
        pltpu.SemaphoreType.DMA,
        pltpu.SemaphoreType.DMA,
        pltpu.SemaphoreType.DMA,
    ],
)
def _emb_kernel(cat_i, sub_i, elem_i, evt_i,
                ct, st, et, vt, out,
                i0, i1, i2, i3, r0, r1, r3, r2,
                g0, g1, g3, ge, ws):
    wid = lax.axis_index("s") * _NC + lax.axis_index("c")
    base = wid * _BPW
    pltpu.sync_copy(cat_i.at[pl.ds(base, _BPW)], i0)
    pltpu.sync_copy(sub_i.at[pl.ds(base, _BPW)], i1)
    pltpu.sync_copy(elem_i.at[pl.ds(base, _BPW)], i2)
    pltpu.sync_copy(evt_i.at[pl.ds(base, _BPW)], i3)
    c0 = pltpu.async_copy(ct.at[i0], r0, g0)
    c1 = pltpu.async_copy(st.at[i1], r1, g1)
    c3 = pltpu.async_copy(vt.at[i3], r3, g3)
    c2 = pltpu.async_copy(et.at[i2], r2, ge)
    c0.wait()
    w0 = pltpu.async_copy(r0, out.at[pl.ds(0 * _B + base, _BPW)], ws)
    c1.wait()
    w1 = pltpu.async_copy(r1, out.at[pl.ds(1 * _B + base, _BPW)], ws)
    c2.wait()
    w2 = pltpu.async_copy(r2, out.at[pl.ds(2 * _B + base, _BPW)], ws)
    c3.wait()
    w3 = pltpu.async_copy(r3, out.at[pl.ds(3 * _B + base, _BPW)], ws)
    w0.wait()
    w1.wait()
    w3.wait()
    w2.wait()


def kernel(categories, sub_categories, elements, event_types,
           category_table, sub_category_table, element_table,
           event_type_table):
    cat_i = jnp.asarray(categories, jnp.int32)
    sub_i = jnp.asarray(sub_categories, jnp.int32)
    elem_i = jnp.asarray(elements, jnp.int32)
    evt_i = jnp.asarray(event_types, jnp.int32)
    return _emb_kernel(cat_i, sub_i, elem_i, evt_i,
                       category_table, sub_category_table,
                       element_table, event_type_table)

# --- scband reference (transcript-rebuilt; emitter-appended) ---
"""Pipeline reference for scband-node-embedding-14912126452443 (READ-ONLY COPY).

The authoritative reference and input builder live on the scoring server;
editing this copy changes nothing except your own understanding.
"""

import jax, jax.numpy as jnp
import numpy as np


def setup_inputs(seed: int = 0) -> dict:
    key = jax.random.key(seed)
    k1, k2, k3, k4, k5, k6, k7, k8 = jax.random.split(key, 8)
    B = 16384
    D = 32
    categories = jax.random.randint(k1, (B,), 0, 1000, dtype=jnp.int64) if jax.config.jax_enable_x64 else jax.random.randint(k1, (B,), 0, 1000, dtype=jnp.int32)
    sub_categories = jax.random.randint(k2, (B,), 0, 100000, dtype=jnp.int32)
    elements = jax.random.randint(k3, (B,), 0, 1000000, dtype=jnp.int32)
    event_types = jax.random.randint(k4, (B,), 0, 1000, dtype=jnp.int32)
    category_table = jax.random.normal(k5, (1000, D), dtype=jnp.float32)
    sub_category_table = jax.random.normal(k6, (100000, D), dtype=jnp.float32)
    element_table = jax.random.normal(k7, (1000000, D), dtype=jnp.float32)
    event_type_table = jax.random.normal(k8, (1000, D), dtype=jnp.float32)
    return {
        "categories": categories,
        "sub_categories": sub_categories,
        "elements": elements,
        "event_types": event_types,
        "category_table": category_table,
        "sub_category_table": sub_category_table,
        "element_table": element_table,
        "event_type_table": event_type_table,
    }


def reference(categories, sub_categories, elements, event_types,
              category_table, sub_category_table, element_table, event_type_table):
    category_emb = jnp.take(category_table, categories, axis=0)
    sub_category_emb = jnp.take(sub_category_table, sub_categories, axis=0)
    element_emb = jnp.take(element_table, elements, axis=0)
    event_type_emb = jnp.take(event_type_table, event_types, axis=0)
    return jnp.concatenate([category_emb, sub_category_emb, element_emb, event_type_emb], axis=0)

if __name__ == "__main__":
    import jax
    _d = setup_inputs()
    print(jax.jit(kernel)(*tuple(_d.values())))

</pallas_src>

<mosaic_0001>
#map = affine_map<(d0, d1) -> (0)>
#map1 = affine_map<(d0, d1) -> (0, 0)>
module attributes {stable_mosaic.version = 14 : i64} {
  func.func @_emb_kernel(%arg0: i32, %arg1: i32, %arg2: memref<16384xi32, #tpu.memory_space<hbm>>, %arg3: memref<16384xi32, #tpu.memory_space<hbm>>, %arg4: memref<16384xi32, #tpu.memory_space<hbm>>, %arg5: memref<16384xi32, #tpu.memory_space<hbm>>, %arg6: memref<1000x32xf32, #tpu.memory_space<hbm>>, %arg7: memref<100000x32xf32, #tpu.memory_space<hbm>>, %arg8: memref<1000000x32xf32, #tpu.memory_space<hbm>>, %arg9: memref<1000x32xf32, #tpu.memory_space<hbm>>, %arg10: memref<65536x32xf32, #tpu.memory_space<hbm>>, %arg11: memref<512xi32, #tpu.memory_space<vmem>>, %arg12: memref<512xi32, #tpu.memory_space<vmem>>, %arg13: memref<512xi32, #tpu.memory_space<vmem>>, %arg14: memref<512xi32, #tpu.memory_space<vmem>>, %arg15: memref<512x32xf32, #tpu.memory_space<vmem>>, %arg16: memref<512x32xf32, #tpu.memory_space<vmem>>, %arg17: memref<512x32xf32, #tpu.memory_space<vmem>>, %arg18: memref<512x32xf32, #tpu.memory_space<vmem>>, %arg19: memref<!tpu.dma_semaphore, #tpu.memory_space<semaphore_mem>>, %arg20: memref<!tpu.dma_semaphore, #tpu.memory_space<semaphore_mem>>, %arg21: memref<!tpu.dma_semaphore, #tpu.memory_space<semaphore_mem>>, %arg22: memref<!tpu.dma_semaphore, #tpu.memory_space<semaphore_mem>>, %arg23: memref<!tpu.dma_semaphore, #tpu.memory_space<semaphore_mem>>) attributes {dimension_semantics = [#tpu.dimension_semantics<core_parallel>, #tpu.dimension_semantics<subcore_parallel>], iteration_bounds = array<i64: 2, 16>, scalar_prefetch = 0 : i64, scratch_operands = 13 : i64, tpu.core_type = #tpu.core_type<sc_vector_subcore>, window_params = [{transform_indices = #map}, {transform_indices = #map}, {transform_indices = #map}, {transform_indices = #map}, {transform_indices = #map1}, {transform_indices = #map1}, {transform_indices = #map1}, {transform_indices = #map1}, {transform_indices = #map1}]} {
    %mul3A = arith.constant 2 : i32
    %mul3A_0 = arith.muli %arg1, %mul3A : i32
    %add3A = arith.addi %mul3A_0, %arg0 : i32
    %mul3A_1 = arith.constant 512 : i32
    %mul3A_2 = arith.muli %add3A, %mul3A_1 : i32
    "tpu.region"() ({
      %run_scoped3A = tpu.sem_alloc : memref<!tpu.dma_semaphore, #tpu.memory_space<semaphore_mem>>
      %dma_start3A_65 = tpu.memref_slice %arg2[%mul3A_2] : memref<16384xi32, #tpu.memory_space<hbm>> -> memref<512xi32, #tpu.memory_space<hbm>>
      %dma_start3A_66 = tpu.memref_slice %arg2[%mul3A_2] : memref<16384xi32, #tpu.memory_space<hbm>> -> memref<512xi32, #tpu.memory_space<hbm>>
      tpu.enqueue_dma source(%dma_start3A_66 : memref<512xi32, #tpu.memory_space<hbm>>) target(%arg11 : memref<512xi32, #tpu.memory_space<vmem>>) target_semaphore(%run_scoped3A : memref<!tpu.dma_semaphore, #tpu.memory_space<semaphore_mem>>)
      %dma_wait3A_67 = tpu.memref_slice %arg2[%mul3A_2] : memref<16384xi32, #tpu.memory_space<hbm>> -> memref<512xi32, #tpu.memory_space<hbm>>
      %dma_wait3A_68 = tpu.memref_slice %arg2[%mul3A_2] : memref<16384xi32, #tpu.memory_space<hbm>> -> memref<512xi32, #tpu.memory_space<hbm>>
      tpu.wait_dma2 semaphore(%run_scoped3A : memref<!tpu.dma_semaphore, #tpu.memory_space<semaphore_mem>>) src(%dma_wait3A_68 : memref<512xi32, #tpu.memory_space<hbm>>) dst(%arg11 : memref<512xi32, #tpu.memory_space<vmem>>)
      tpu.yield
    }) : () -> ()
    "tpu.region"() ({
      %run_scoped3A = tpu.sem_alloc : memref<!tpu.dma_semaphore, #tpu.memory_space<semaphore_mem>>
      %dma_start3A_65 = tpu.memref_slice %arg3[%mul3A_2] : memref<16384xi32, #tpu.memory_space<hbm>> -> memref<512xi32, #tpu.memory_space<hbm>>
      %dma_start3A_66 = tpu.memref_slice %arg3[%mul3A_2] : memref<16384xi32, #tpu.memory_space<hbm>> -> memref<512xi32, #tpu.memory_space<hbm>>
      tpu.enqueue_dma source(%dma_start3A_66 : memref<512xi32, #tpu.memory_space<hbm>>) target(%arg12 : memref<512xi32, #tpu.memory_space<vmem>>) target_semaphore(%run_scoped3A : memref<!tpu.dma_semaphore, #tpu.memory_space<semaphore_mem>>)
      %dma_wait3A_67 = tpu.memref_slice %arg3[%mul3A_2] : memref<16384xi32, #tpu.memory_space<hbm>> -> memref<512xi32, #tpu.memory_space<hbm>>
      %dma_wait3A_68 = tpu.memref_slice %arg3[%mul3A_2] : memref<16384xi32, #tpu.memory_space<hbm>> -> memref<512xi32, #tpu.memory_space<hbm>>
      tpu.wait_dma2 semaphore(%run_scoped3A : memref<!tpu.dma_semaphore, #tpu.memory_space<semaphore_mem>>) src(%dma_wait3A_68 : memref<512xi32, #tpu.memory_space<hbm>>) dst(%arg12 : memref<512xi32, #tpu.memory_space<vmem>>)
      tpu.yield
    }) : () -> ()
    "tpu.region"() ({
      %run_scoped3A = tpu.sem_alloc : memref<!tpu.dma_semaphore, #tpu.memory_space<semaphore_mem>>
      %dma_start3A_65 = tpu.memref_slice %arg4[%mul3A_2] : memref<16384xi32, #tpu.memory_space<hbm>> -> memref<512xi32, #tpu.memory_space<hbm>>
      %dma_start3A_66 = tpu.memref_slice %arg4[%mul3A_2] : memref<16384xi32, #tpu.memory_space<hbm>> -> memref<512xi32, #tpu.memory_space<hbm>>
      tpu.enqueue_dma source(%dma_start3A_66 : memref<512xi32, #tpu.memory_space<hbm>>) target(%arg13 : memref<512xi32, #tpu.memory_space<vmem>>) target_semaphore(%run_scoped3A : memref<!tpu.dma_semaphore, #tpu.memory_space<semaphore_mem>>)
      %dma_wait3A_67 = tpu.memref_slice %arg4[%mul3A_2] : memref<16384xi32, #tpu.memory_space<hbm>> -> memref<512xi32, #tpu.memory_space<hbm>>
      %dma_wait3A_68 = tpu.memref_slice %arg4[%mul3A_2] : memref<16384xi32, #tpu.memory_space<hbm>> -> memref<512xi32, #tpu.memory_space<hbm>>
      tpu.wait_dma2 semaphore(%run_scoped3A : memref<!tpu.dma_semaphore, #tpu.memory_space<semaphore_mem>>) src(%dma_wait3A_68 : memref<512xi32, #tpu.memory_space<hbm>>) dst(%arg13 : memref<512xi32, #tpu.memory_space<vmem>>)
      tpu.yield
    }) : () -> ()
    "tpu.region"() ({
      %run_scoped3A = tpu.sem_alloc : memref<!tpu.dma_semaphore, #tpu.memory_space<semaphore_mem>>
      %dma_start3A_65 = tpu.memref_slice %arg5[%mul3A_2] : memref<16384xi32, #tpu.memory_space<hbm>> -> memref<512xi32, #tpu.memory_space<hbm>>
      %dma_start3A_66 = tpu.memref_slice %arg5[%mul3A_2] : memref<16384xi32, #tpu.memory_space<hbm>> -> memref<512xi32, #tpu.memory_space<hbm>>
      tpu.enqueue_dma source(%dma_start3A_66 : memref<512xi32, #tpu.memory_space<hbm>>) target(%arg14 : memref<512xi32, #tpu.memory_space<vmem>>) target_semaphore(%run_scoped3A : memref<!tpu.dma_semaphore, #tpu.memory_space<semaphore_mem>>)
      %dma_wait3A_67 = tpu.memref_slice %arg5[%mul3A_2] : memref<16384xi32, #tpu.memory_space<hbm>> -> memref<512xi32, #tpu.memory_space<hbm>>
      %dma_wait3A_68 = tpu.memref_slice %arg5[%mul3A_2] : memref<16384xi32, #tpu.memory_space<hbm>> -> memref<512xi32, #tpu.memory_space<hbm>>
      tpu.wait_dma2 semaphore(%run_scoped3A : memref<!tpu.dma_semaphore, #tpu.memory_space<semaphore_mem>>) src(%dma_wait3A_68 : memref<512xi32, #tpu.memory_space<hbm>>) dst(%arg14 : memref<512xi32, #tpu.memory_space<vmem>>)
      tpu.yield
    }) : () -> ()
    %dma_start3A = arith.constant 0 : i32
    %dma_start3A_3 = arith.constant 0 : i32
    %dma_start3A_4 = tpu.memref_slice %arg6[%dma_start3A, %dma_start3A_3] : memref<1000x32xf32, #tpu.memory_space<hbm>> -> memref<1000x32xf32, #tpu.memory_space<hbm>>
    tpu.enqueue_indirect_dma source(%dma_start3A_4 : memref<1000x32xf32, #tpu.memory_space<hbm>>) target(%arg15 : memref<512x32xf32, #tpu.memory_space<vmem>>) offsets(%arg11 : memref<512xi32, #tpu.memory_space<vmem>>) semaphore(%arg19 : memref<!tpu.dma_semaphore, #tpu.memory_space<semaphore_mem>>)
    %dma_start3A_5 = arith.constant 0 : i32
    %dma_start3A_6 = arith.constant 0 : i32
    %dma_start3A_7 = tpu.memref_slice %arg7[%dma_start3A_5, %dma_start3A_6] : memref<100000x32xf32, #tpu.memory_space<hbm>> -> memref<100000x32xf32, #tpu.memory_space<hbm>>
    tpu.enqueue_indirect_dma source(%dma_start3A_7 : memref<100000x32xf32, #tpu.memory_space<hbm>>) target(%arg16 : memref<512x32xf32, #tpu.memory_space<vmem>>) offsets(%arg12 : memref<512xi32, #tpu.memory_space<vmem>>) semaphore(%arg20 : memref<!tpu.dma_semaphore, #tpu.memory_space<semaphore_mem>>)
    %dma_start3A_8 = arith.constant 0 : i32
    %dma_start3A_9 = arith.constant 0 : i32
    %dma_start3A_10 = tpu.memref_slice %arg9[%dma_start3A_8, %dma_start3A_9] : memref<1000x32xf32, #tpu.memory_space<hbm>> -> memref<1000x32xf32, #tpu.memory_space<hbm>>
    tpu.enqueue_indirect_dma source(%dma_start3A_10 : memref<1000x32xf32, #tpu.memory_space<hbm>>) target(%arg17 : memref<512x32xf32, #tpu.memory_space<vmem>>) offsets(%arg14 : memref<512xi32, #tpu.memory_space<vmem>>) semaphore(%arg21 : memref<!tpu.dma_semaphore, #tpu.memory_space<semaphore_mem>>)
    %dma_start3A_11 = arith.constant 0 : i32
    %dma_start3A_12 = arith.constant 0 : i32
    %dma_start3A_13 = tpu.memref_slice %arg8[%dma_start3A_11, %dma_start3A_12] : memref<1000000x32xf32, #tpu.memory_space<hbm>> -> memref<1000000x32xf32, #tpu.memory_space<hbm>>
    tpu.enqueue_indirect_dma source(%dma_start3A_13 : memref<1000000x32xf32, #tpu.memory_space<hbm>>) target(%arg18 : memref<512x32xf32, #tpu.memory_space<vmem>>) offsets(%arg13 : memref<512xi32, #tpu.memory_space<vmem>>) semaphore(%arg22 : memref<!tpu.dma_semaphore, #tpu.memory_space<semaphore_mem>>)
    %dma_wait3A = arith.constant 0 : i32
    %dma_wait3A_14 = arith.constant 0 : i32
    %dma_wait3A_15 = tpu.memref_slice %arg6[%dma_wait3A, %dma_wait3A_14] : memref<1000x32xf32, #tpu.memory_space<hbm>> -> memref<1000x32xf32, #tpu.memory_space<hbm>>
    tpu.wait_indirect_dma semaphore(%arg19 : memref<!tpu.dma_semaphore, #tpu.memory_space<semaphore_mem>>) src(%dma_wait3A_15 : memref<1000x32xf32, #tpu.memory_space<hbm>>) dst(%arg15 : memref<512x32xf32, #tpu.memory_space<vmem>>)
    %add3A_16 = arith.constant 0 : i32
    %add3A_17 = arith.addi %add3A_16, %mul3A_2 : i32
    %dma_start3A_18 = arith.constant 0 : i32
    %dma_start3A_19 = tpu.memref_slice %arg10[%add3A_17, %dma_start3A_18] : memref<65536x32xf32, #tpu.memory_space<hbm>> -> memref<512x32xf32, #tpu.memory_space<hbm>>
    %dma_start3A_20 = arith.constant 0 : i32
    %dma_start3A_21 = tpu.memref_slice %arg10[%add3A_17, %dma_start3A_20] : memref<65536x32xf32, #tpu.memory_space<hbm>> -> memref<512x32xf32, #tpu.memory_space<hbm>>
    tpu.enqueue_dma source(%arg15 : memref<512x32xf32, #tpu.memory_space<vmem>>) target(%dma_start3A_21 : memref<512x32xf32, #tpu.memory_space<hbm>>) target_semaphore(%arg23 : memref<!tpu.dma_semaphore, #tpu.memory_space<semaphore_mem>>)
    %dma_wait3A_22 = arith.constant 0 : i32
    %dma_wait3A_23 = arith.constant 0 : i32
    %dma_wait3A_24 = tpu.memref_slice %arg7[%dma_wait3A_22, %dma_wait3A_23] : memref<100000x32xf32, #tpu.memory_space<hbm>> -> memref<100000x32xf32, #tpu.memory_space<hbm>>
    tpu.wait_indirect_dma semaphore(%arg20 : memref<!tpu.dma_semaphore, #tpu.memory_space<semaphore_mem>>) src(%dma_wait3A_24 : memref<100000x32xf32, #tpu.memory_space<hbm>>) dst(%arg16 : memref<512x32xf32, #tpu.memory_space<vmem>>)
    %add3A_25 = arith.constant 16384 : i32
    %add3A_26 = arith.addi %add3A_25, %mul3A_2 : i32
    %dma_start3A_27 = arith.constant 0 : i32
    %dma_start3A_28 = tpu.memref_slice %arg10[%add3A_26, %dma_start3A_27] : memref<65536x32xf32, #tpu.memory_space<hbm>> -> memref<512x32xf32, #tpu.memory_space<hbm>>
    %dma_start3A_29 = arith.constant 0 : i32
    %dma_start3A_30 = tpu.memref_slice %arg10[%add3A_26, %dma_start3A_29] : memref<65536x32xf32, #tpu.memory_space<hbm>> -> memref<512x32xf32, #tpu.memory_space<hbm>>
    tpu.enqueue_dma source(%arg16 : memref<512x32xf32, #tpu.memory_space<vmem>>) target(%dma_start3A_30 : memref<512x32xf32, #tpu.memory_space<hbm>>) target_semaphore(%arg23 : memref<!tpu.dma_semaphore, #tpu.memory_space<semaphore_mem>>)
    %dma_wait3A_31 = arith.constant 0 : i32
    %dma_wait3A_32 = arith.constant 0 : i32
    %dma_wait3A_33 = tpu.memref_slice %arg8[%dma_wait3A_31, %dma_wait3A_32] : memref<1000000x32xf32, #tpu.memory_space<hbm>> -> memref<1000000x32xf32, #tpu.memory_space<hbm>>
    tpu.wait_indirect_dma semaphore(%arg22 : memref<!tpu.dma_semaphore, #tpu.memory_space<semaphore_mem>>) src(%dma_wait3A_33 : memref<1000000x32xf32, #tpu.memory_space<hbm>>) dst(%arg18 : memref<512x32xf32, #tpu.memory_space<vmem>>)
    %add3A_34 = arith.constant 32768 : i32
    %add3A_35 = arith.addi %add3A_34, %mul3A_2 : i32
    %dma_start3A_36 = arith.constant 0 : i32
    %dma_start3A_37 = tpu.memref_slice %arg10[%add3A_35, %dma_start3A_36] : memref<65536x32xf32, #tpu.memory_space<hbm>> -> memref<512x32xf32, #tpu.memory_space<hbm>>
    %dma_start3A_38 = arith.constant 0 : i32
    %dma_start3A_39 = tpu.memref_slice %arg10[%add3A_35, %dma_start3A_38] : memref<65536x32xf32, #tpu.memory_space<hbm>> -> memref<512x32xf32, #tpu.memory_space<hbm>>
    tpu.enqueue_dma source(%arg18 : memref<512x32xf32, #tpu.memory_space<vmem>>) target(%dma_start3A_39 : memref<512x32xf32, #tpu.memory_space<hbm>>) target_semaphore(%arg23 : memref<!tpu.dma_semaphore, #tpu.memory_space<semaphore_mem>>)
    %dma_wait3A_40 = arith.constant 0 : i32
    %dma_wait3A_41 = arith.constant 0 : i32
    %dma_wait3A_42 = tpu.memref_slice %arg9[%dma_wait3A_40, %dma_wait3A_41] : memref<1000x32xf32, #tpu.memory_space<hbm>> -> memref<1000x32xf32, #tpu.memory_space<hbm>>
    tpu.wait_indirect_dma semaphore(%arg21 : memref<!tpu.dma_semaphore, #tpu.memory_space<semaphore_mem>>) src(%dma_wait3A_42 : memref<1000x32xf32, #tpu.memory_space<hbm>>) dst(%arg17 : memref<512x32xf32, #tpu.memory_space<vmem>>)
    %add3A_43 = arith.constant 49152 : i32
    %add3A_44 = arith.addi %add3A_43, %mul3A_2 : i32
    %dma_start3A_45 = arith.constant 0 : i32
    %dma_start3A_46 = tpu.memref_slice %arg10[%add3A_44, %dma_start3A_45] : memref<65536x32xf32, #tpu.memory_space<hbm>> -> memref<512x32xf32, #tpu.memory_space<hbm>>
    %dma_start3A_47 = arith.constant 0 : i32
    %dma_start3A_48 = tpu.memref_slice %arg10[%add3A_44, %dma_start3A_47] : memref<65536x32xf32, #tpu.memory_space<hbm>> -> memref<512x32xf32, #tpu.memory_space<hbm>>
    tpu.enqueue_dma source(%arg17 : memref<512x32xf32, #tpu.memory_space<vmem>>) target(%dma_start3A_48 : memref<512x32xf32, #tpu.memory_space<hbm>>) target_semaphore(%arg23 : memref<!tpu.dma_semaphore, #tpu.memory_space<semaphore_mem>>)
    %dma_wait3A_49 = arith.constant 0 : i32
    %dma_wait3A_50 = tpu.memref_slice %arg10[%add3A_17, %dma_wait3A_49] : memref<65536x32xf32, #tpu.memory_space<hbm>> -> memref<512x32xf32, #tpu.memory_space<hbm>>
    %dma_wait3A_51 = arith.constant 0 : i32
    %dma_wait3A_52 = tpu.memref_slice %arg10[%add3A_17, %dma_wait3A_51] : memref<65536x32xf32, #tpu.memory_space<hbm>> -> memref<512x32xf32, #tpu.memory_space<hbm>>
    tpu.wait_dma2 semaphore(%arg23 : memref<!tpu.dma_semaphore, #tpu.memory_space<semaphore_mem>>) src(%arg15 : memref<512x32xf32, #tpu.memory_space<vmem>>) dst(%dma_wait3A_52 : memref<512x32xf32, #tpu.memory_space<hbm>>)
    %dma_wait3A_53 = arith.constant 0 : i32
    %dma_wait3A_54 = tpu.memref_slice %arg10[%add3A_26, %dma_wait3A_53] : memref<65536x32xf32, #tpu.memory_space<hbm>> -> memref<512x32xf32, #tpu.memory_space<hbm>>
    %dma_wait3A_55 = arith.constant 0 : i32
    %dma_wait3A_56 = tpu.memref_slice %arg10[%add3A_26, %dma_wait3A_55] : memref<65536x32xf32, #tpu.memory_space<hbm>> -> memref<512x32xf32, #tpu.memory_space<hbm>>
    tpu.wait_dma2 semaphore(%arg23 : memref<!tpu.dma_semaphore, #tpu.memory_space<semaphore_mem>>) src(%arg16 : memref<512x32xf32, #tpu.memory_space<vmem>>) dst(%dma_wait3A_56 : memref<512x32xf32, #tpu.memory_space<hbm>>)
    %dma_wait3A_57 = arith.constant 0 : i32
    %dma_wait3A_58 = tpu.memref_slice %arg10[%add3A_44, %dma_wait3A_57] : memref<65536x32xf32, #tpu.memory_space<hbm>> -> memref<512x32xf32, #tpu.memory_space<hbm>>
    %dma_wait3A_59 = arith.constant 0 : i32
    %dma_wait3A_60 = tpu.memref_slice %arg10[%add3A_44, %dma_wait3A_59] : memref<65536x32xf32, #tpu.memory_space<hbm>> -> memref<512x32xf32, #tpu.memory_space<hbm>>
    tpu.wait_dma2 semaphore(%arg23 : memref<!tpu.dma_semaphore, #tpu.memory_space<semaphore_mem>>) src(%arg17 : memref<512x32xf32, #tpu.memory_space<vmem>>) dst(%dma_wait3A_60 : memref<512x32xf32, #tpu.memory_space<hbm>>)
    %dma_wait3A_61 = arith.constant 0 : i32
    %dma_wait3A_62 = tpu.memref_slice %arg10[%add3A_35, %dma_wait3A_61] : memref<65536x32xf32, #tpu.memory_space<hbm>> -> memref<512x32xf32, #tpu.memory_space<hbm>>
    %dma_wait3A_63 = arith.constant 0 : i32
    %dma_wait3A_64 = tpu.memref_slice %arg10[%add3A_35, %dma_wait3A_63] : memref<65536x32xf32, #tpu.memory_space<hbm>> -> memref<512x32xf32, #tpu.memory_space<hbm>>
    tpu.wait_dma2 semaphore(%arg23 : memref<!tpu.dma_semaphore, #tpu.memory_space<semaphore_mem>>) src(%arg18 : memref<512x32xf32, #tpu.memory_space<vmem>>) dst(%dma_wait3A_64 : memref<512x32xf32, #tpu.memory_space<hbm>>)
    return
  }
}

</mosaic_0001>

<sc_bundles>
// kernel: kernel.3.cloned.1.call-start
scs
__scs_entry_jumppad:
0x0: {  	(pc) =	sbr.rel $0x88, $3  }
0x1: {  	(tag) =	ssettag $0x0;
	lr =	simm.s32 $0x1  }
0x2: {  	[smem:$0x3F99] =	sst lr;
	_ =	strace $0xD0000000  }
0x3: {  	_ = 	snop  }
0x4: {  	_ = 	snop  }
0x5: {  	_ = 	snop  }
0x6: {  	_ = 	snop  }
0x7: {  	_ = 	snop  }
__scs_overlays_trampoline_lowered:
0x8: {  	[smem:$0x3FA8] =	sst s0  }
0x9: {  	[smem:$0x3FA9] =	sst s1  }
0xa: {  	[smem:$0x3FAA] =	sst s2  }
0xb: {  	[smem:$0x3FAB] =	sst s3  }
0xc: {  	[smem:$0x3FAC] =	sst s4  }
0xd: {  	[smem:$0x3FAD] =	sst s5  }
0xe: {  	[smem:$0x3FAE] =	sst s6  }
0xf: {  	[smem:$0x3FAF] =	sst s7  }
0x10: {  	[smem:$0x3FB0] =	sst s8  }
0x11: {  	[smem:$0x3FB1] =	sst s9;
	s0 =	simm.s32 @!p0 $0x0  }
0x12: {  	s1 =	sld [smem:$0x3F97];
	s0 =	simm.s32 @p0 $0x1  }
0x13: {  	[smem:$0x3FB2] =	sst s0;
	s0 =	simm.s32 @!p1 $0x0  }
0x14: {  	s2 =	sld [smem:$0x3F96];
	s0 =	simm.s32 @p1 $0x1  }
0x15: {  	[smem:$0x3FB3] =	sst s0;
	s0 =	simm.s32 @!p2 $0x0  }
0x16: {  	s3 =	sld [smem:$0x3FDB];
	s0 =	simm.s32 @p2 $0x1  }
0x17: {  	s4 =	simm.s32 $0x1BF5;
	[smem:$0x3FB5] =	sst s0  }
0x18: {  	s0 =	sld [smem:$0x3F98];
	_ =	swait.ge [sflag:s4], $0x0  }
0x19: {  	s7 =	sld [smem:$0x3F99]  }
0x1a: {  	s8 =	sadd.s32 $0xFFFFE003, lr  }
0x1b: {  	s9 =	sadd.s32 $0xFFFFFEF7, lr;
	s5 =	simm.s32 $0xFFFFFFFF;
	p2 =	slt.u32 s8, $0xFFFFF086  }
0x1c: {  	p1 =	slt.u32 s9, $0xF7A;
	s5 =	simm.s32 @!p2 $0x0  }
0x1d: {  	s5 =	simm.s32 @p1 $0x1;
	p0 =	seq.s32 s7, s2  }
0x1e: {  	s7 =	smul.u32 @!p0 $0xF7A, s2;
	p2 =	seq.s32 @!p0 s5, $0x0  }
0x1f: {  	s9 =	smul.u32 $0xF7A, s1;
	s8 =	simm.s32 @!p0 $0x1BF5;
	p2 =	por !p2, p0  }
0x20: {  	[sflag:s8] =	ssyncset.s32 @!p0 $0xFFFFF086;
	s6 =	sadd.s32 @!p0 s3, s7;
	s7 =	simm.s32 @!p0 $0x108  }
0x21: {  	s3 =	sadd.s32 s3, s9;
	s6 =	sadd.s32 @!p0 $0x88, s6;
	s7 =	simm.s32 @p2 $0x1082  }
0x22: {  	[simem:s7], [sflag:s8] =	dma.local @!p0 [hbm:s6], $0xF7A  }
0x23: {  	s9 =	sor.u32 $0xD0000000, s2;
	s6 =	simm.s32 $0x108;
	_ =	swait.ge @!p0 [sflag:s8], $0x0  }
0x24: {  	s3 =	sadd.s32 $0x88, s3;
	s6 =	simm.s32 @!p1 $0x1082;
	[sflag:s4] =	ssyncset.s32 $0xFFFFF086  }
0x25: {  	[simem:s6], [sflag:s4] =	dma.local [hbm:s3], $0xF7A  }
0x26: {  	[smem:$0x3F99] =	sst s1;
	(tag) =	ssettag s2;
	_ =	strace s9  }
0x27: {  	s1 =	sld [smem:$0x3FA9]  }
0x28: {  	s2 =	sld [smem:$0x3FAA]  }
0x29: {  	s4 =	sld [smem:$0x3FAC]  }
0x2a: {  	p0 =	seq.s32 s5, $0x0;
	s5 =	sld [smem:$0x3FAD]  }
0x2b: {  	s6 =	sld [smem:$0x3FAE]  }
0x2c: {  	s7 =	sld [smem:$0x3FAF]  }
0x2d: {  	s3 =	simm.s32 $0x108;
	s8 =	sld [smem:$0x3FB0]  }
0x2e: {  	s3 =	simm.s32 @!p0 $0x1082;
	s9 =	sld [smem:$0x3FB1]  }
0x2f: {  	lr =	sadd.s32 s0, s3;
	s0 =	sld [smem:$0x3FA8]  }
0x30: {  	s3 =	sld [smem:$0x3FAB]  }
0x31: {  	[smem:$0x3FB4] =	sst s10  }
0x32: {  	s10 =	sld [smem:$0x3FB2];
	_ =	sdelay $0x3  }
0x33: {  	p0 =	seq.s32 s10, $0x1;
	s10 =	sld [smem:$0x3FB4];
	_ =	sdelay $0x3  }
0x34: {  	[smem:$0x3FB4] =	sst s10  }
0x35: {  	s10 =	sld [smem:$0x3FB3];
	_ =	sdelay $0x3  }
0x36: {  	p1 =	seq.s32 s10, $0x1;
	s10 =	sld [smem:$0x3FB4];
	_ =	sdelay $0x3  }
0x37: {  	[smem:$0x3FB4] =	sst s10  }
0x38: {  	s10 =	sld [smem:$0x3FB5]  }
0x39: {  	_ = 	snop;
	(pc) =	sbr.ind lr, $3  }
0x3a: {  	_ = 	snop  }
0x3b: {  	_ = 	snop  }
0x3c: {  	p2 =	seq.s32 s10, $0x1;
	s10 =	sld [smem:$0x3FB4]  }
0x3d: {  	_ =	shalt  }
0x3e: {  	_ =	shalt  }
0x3f: {  	_ =	shalt  }
0x40: {  	_ =	shalt  }
0x41: {  	_ =	shalt  }
0x42: {  	_ =	shalt  }
0x43: {  	_ =	shalt  }
0x44: {  	_ =	shalt  }
0x45: {  	_ =	shalt  }
0x46: {  	_ =	shalt  }
0x47: {  	_ =	shalt  }
0x48: {  	_ =	shalt  }
0x49: {  	_ =	shalt  }
0x4a: {  	_ =	shalt  }
0x4b: {  	_ =	shalt  }
0x4c: {  	_ =	shalt  }
0x4d: {  	_ =	shalt  }
0x4e: {  	_ =	shalt  }
0x4f: {  	_ =	shalt  }
0x50: {  	_ =	shalt  }
0x51: {  	_ =	shalt  }
0x52: {  	_ =	shalt  }
0x53: {  	_ =	shalt  }
0x54: {  	_ =	shalt  }
0x55: {  	_ =	shalt  }
0x56: {  	_ =	shalt  }
0x57: {  	_ =	shalt  }
0x58: {  	_ =	shalt  }
0x59: {  	_ =	shalt  }
0x5a: {  	_ =	shalt  }
0x5b: {  	_ =	shalt  }
0x5c: {  	_ =	shalt  }
0x5d: {  	_ =	shalt  }
0x5e: {  	_ =	shalt  }
0x5f: {  	_ =	shalt  }
0x60: {  	_ =	shalt  }
0x61: {  	_ =	shalt  }
0x62: {  	_ =	shalt  }
0x63: {  	_ =	shalt  }
0x64: {  	_ =	shalt  }
0x65: {  	_ =	shalt  }
0x66: {  	_ =	shalt  }
0x67: {  	_ =	shalt  }
0x68: {  	_ =	shalt  }
0x69: {  	_ =	shalt  }
0x6a: {  	_ =	shalt  }
0x6b: {  	_ =	shalt  }
0x6c: {  	_ =	shalt  }
0x6d: {  	_ =	shalt  }
0x6e: {  	_ =	shalt  }
0x6f: {  	_ =	shalt  }
0x70: {  	_ =	shalt  }
0x71: {  	_ =	shalt  }
0x72: {  	_ =	shalt  }
0x73: {  	_ =	shalt  }
0x74: {  	_ =	shalt  }
0x75: {  	_ =	shalt  }
0x76: {  	_ =	shalt  }
0x77: {  	_ =	shalt  }
0x78: {  	_ =	shalt  }
0x79: {  	_ =	shalt  }
0x7a: {  	_ =	shalt  }
0x7b: {  	_ =	shalt  }
0x7c: {  	_ =	shalt  }
0x7d: {  	_ =	shalt  }
0x7e: {  	_ =	shalt  }
0x7f: {  	_ =	shalt  }
0x80: {  	_ =	shalt  }
0x81: {  	_ =	shalt  }
0x82: {  	_ =	shalt  }
0x83: {  	_ =	shalt  }
0x84: {  	_ =	shalt  }
0x85: {  	_ =	shalt  }
0x86: {  	_ =	shalt  }
0x87: {  	_ =	shalt  }
.Lfunc_end0:
.L_simem_size_0:
called_computation_lowered:
.L_overlay_start_0:
0x88: {  	s2 =	sld [smem:$0x3FD9]  }
0x89: {  	s3 =	sld [smem:$0x3FFE];
	_ =	sdelay $0x1  }
0x8a: {  	s1 =	srdreg.scid  }
0x8b: {  	s0 =	sand.u32 $0x1, s1  }
0x8c: {  	s17 =	sshll.u32 s0, $0xA;
	s2 =	sadd.s32 s3, s2  }
0x8d: {  	s2 =	sadd.s32 s2, s17  }
0x8e: {  	[smem:$0x3FC0] =	sst s2  }
0x8f: {  	_ = 	snop  }
0x90: {  	s2 =	sld [smem:$0x3FC9]  }
0x91: {  	s18 =	sld [smem:$0x3FC8]  }
0x92: {  	s4 =	sld [smem:$0x3FC7]  }
0x93: {  	s5 =	sld [smem:$0x3FC6]  }
0x94: {  	s6 =	sld [smem:$0x3FD0];
	(tm) =	ssettm $0x1  }
0x95: {  	s7 =	sld [smem:$0x3FFB];
	_ =	sdelay $0x3  }
0x96: {  	_ =	strace s7  }
0x97: {  	s7 =	sld [smem:$0x3FFC];
	_ =	sdelay $0x3  }
0x98: {  	_ =	strace s7  }
0x99: {  	s7 =	sld [smem:$0x3FFD];
	_ =	sdelay $0x3  }
0x9a: {  	_ =	strace s7  }
0x9b: {  	_ =	strace $0x8FFFFFFF  }
0x9c: {  	s19 =	sld [smem:$0x3FDB];
	_ =	sdelay $0x1  }
0x9d: {  	s8 =	simm.s32 $_scs_section_size  }
0x9e: {  	s9 =	simm.s32 $_size__tile_overlayer_lowered;
	s10 =	simm.s32 $_tile_overlayer_lowered  }
0x9f: {  	s22 =	simm.s32 $0x1BFF;
	s21 =	sshll.u32 s10, $0x1;
	s7 =	sadd.s32 s8, s19  }
0xa0: {  	s11 =	simm.s32 $0x0;
	s20 =	sshll.u32 s9, $0x1;
	s9 =	sadd.s32 s21, s7  }
0xa1: {  	[timem:s11], [sflag:s22] =	dma.local [hbm:s9], s20  }
0xa2: {  	_ =	swait.ge [sflag:s22], s20  }
0xa3: {  	s8 =	ssub.s32 $0x0, s20;
	[sflag:s22] =	ssyncset.done $0x0  }
0xa4: {  	[sflag:s22] =	ssyncadd.s32 s8;
	_ =	sdelay $0x1  }
0xa5: {  	s23 =	simm.s32 $0x1B8B  }
0xa6: {  	_ =	swait.ge [sflag:s23], $0x1  }
0xa7: {  	[sflag:s23] =	ssyncset.done $0x0  }
0xa8: {  	s25 =	simm.s32 $0x1B8E;
	s24 =	sld [smem:$0x3FFE];
	[sflag:s23] =	ssyncadd.s32 $0xFFFFFFFF  }
0xa9: {  	s26 =	simm.s32 $execute0_lowered;
	[smem:$0x3FD2] =	sst s25  }
0xaa: {  	s9 =	sshll.u32 s26, $0x1;
	_ =	strace $0x80000046;
	[dreg:$0x1] =	wrdreg $0xFFFFFFFF  }
0xab: {  	s28 =	simm.s32 $_size_execute0_lowered;
	s7 =	sadd.s32 s7, s9;
	[dreg:$0x0] =	wrdreg $0x0  }
0xac: {  	s9 =	sshll.u32 s28, $0x1;
	[dreg:$0x2] =	wrdreg s7  }
0xad: {  	[dreg:$0x3] =	wrdreg s9  }
0xae: {  	[dreg:$0x4] =	wrdreg $0xC0  }
0xaf: {  	_ =	task [dreg:s11], $0x5FFFF  }
0xb0: {  	[dreg:$0x1] =	wrdreg $0xFFFFFFFF  }
0xb1: {  	[dreg:$0x0] =	wrdreg $0x60  }
0xb2: {  	[dreg:$0x2] =	wrdreg s2  }
0xb3: {  	[dreg:$0x3] =	wrdreg s18  }
0xb4: {  	[dreg:$0x4] =	wrdreg s4  }
0xb5: {  	[dreg:$0x5] =	wrdreg s5  }
0xb6: {  	[dreg:$0x6] =	wrdreg s24  }
0xb7: {  	[dreg:$0x7] =	wrdreg s6  }
0xb8: {  	[dreg:$0x8] =	wrdreg $0x9  }
0xb9: {  	_ =	task.clear_ibuf [dreg:s11], $0x9FFFF;
	_ =	strace $0x90000046  }
0xba: {  	s29 =	simm.s32 $0x9;
	_ =	strace $0x80000048  }
0xbb: {  	_ =	swait.ge [sflag:s29], $0x1  }
0xbc: {  	[sflag:s29] =	ssyncadd.s32 $0xFFFFFFFF  }
0xbd: {  	_ =	strace $0x90000048  }
0xbe: {  	_ =	sfence  }
0xbf: {  	s30 =	sld [smem:$0x0];
	_ =	sdelay $0x2  }
0xc0: {  	s31 =	sshll.u32 s1, $0xD;
	s1 =	sshrl.u32 s1, $0x2  }
0xc1: {  	s3 =	sand.u32 $0x4000, s31;
	s1 =	sadd.s32 s1, s30  }
0xc2: {  	s0 =	sor.u32 s3, s0;
	s1 =	sshll.u32 s1, $0x11  }
0xc3: {  	s0 =	sor.u32 s1, s0  }
0xc4: {  	s0 =	sadd.s32 $0x8F2B, s0  }
0xc5: {  	[sflag:s0] =	ssyncadd.remote.s32 $0x1  }
0xc6: {  	_ =	sfence.sel $0xFFFF  }
0xc7: {  	[dreg:$0x0] =	wrdreg $0xFFFFFFFF;
	(pc) =	sbr.abs _section_cstart, $3  }
0xc8: {  	[dreg:$0x1] =	wrdreg $0xFFFFFFFF  }
0xc9: {  	_ =	task.clear_ibuf [dreg:s11], $0x2FFFF;
	_ =	strace $0x9FFFFFFF  }
0xca: {  	(tm) =	ssettm $0x7FFFFFFF  }
0xcb: {  	_ =	shalt  }
tec
execute0_lowered:
.L_overlay_start_1:
0x0: {  	(tag) =	ssettag $0x1  }
0x1: {  	s3 =	rddreg [dreg:$0x0]  }
0x2: {  	s5 =	rddreg [dreg:$0x1]  }
0x3: {  	s7 =	rddreg [dreg:$0x2]  }
0x4: {  	s9 =	rddreg [dreg:$0x3];
	s1 =	srdreg.scid  }
0x5: {  	s17 =	rddreg [dreg:$0x4];
	s0 =	stileid.u32;
	s29 =	sand.u32 $0x1, s1  }
0x6: {  	s20 =	rddreg [dreg:$0x5];
	s4 =	sshll.u32 s0, $0xA;
	s6 =	sshll.u32 s29, $0x9  }
0x7: {  	s2 =	simm.s32 $0x0;
	s1 =	rddreg [dreg:$0x6];
	s21 =	sor.u32 s6, s4  }
0x8: {  	[smem:$0x7FF] =	sst s2;
	s10 =	sshrl.u32 s21, $0x3  }
0x9: {  	_ =	strace $0x80000047;
	s4 =	simm.s32 $0x6;
	s3 =	sadd.s32 s3, s10  }
0xa: {  	[tilespmem:s2], [sflag:$0x6] =	stream.linear.gather [hbm4b:s3+s2], $0x200, $0x38;
	[tilespmem:$0x10800] =	vst v63  }
0xb: {  	_ =	swait.ge [sflag:s4], $0x200  }
0xc: {  	[sflag:s4] =	ssyncset.done $0x0  }
0xd: {  	s6 =	simm.s32 $0x200;
	s5 =	sadd.s32 s5, s10;
	[sflag:s4] =	ssyncadd.s32 $0xFFFFFE00  }
0xe: {  	[tilespmem:s6], [sflag:$0x6] =	stream.linear.gather [hbm4b:s5+s2], $0x200, $0x38;
	[tilespmem:$0x10800] =	vst v63  }
0xf: {  	_ =	swait.ge [sflag:s4], $0x200  }
0x10: {  	[sflag:s4] =	ssyncset.done $0x0  }
0x11: {  	s8 =	simm.s32 $0x400;
	s7 =	sadd.s32 s7, s10;
	[sflag:s4] =	ssyncadd.s32 $0xFFFFFE00  }
0x12: {  	[tilespmem:s8], [sflag:$0x6] =	stream.linear.gather [hbm4b:s7+s2], $0x200, $0x38;
	[tilespmem:$0x10800] =	vst v63  }
0x13: {  	_ =	swait.ge [sflag:s4], $0x200  }
0x14: {  	[sflag:s4] =	ssyncset.done $0x0  }
0x15: {  	s9 =	sadd.s32 s9, s10;
	s10 =	simm.s32 $0x600;
	[sflag:s4] =	ssyncadd.s32 $0xFFFFFE00  }
0x16: {  	[tilespmem:s10], [sflag:$0x6] =	stream.linear.gather [hbm4b:s9+s2], $0x200, $0x38;
	[tilespmem:$0x10800] =	vst v63  }
0x17: {  	_ =	swait.ge [sflag:s4], $0x200  }
0x18: {  	[sflag:s4] =	ssyncset.done $0x0  }
0x19: {  	s12 =	simm.s32 $0x800;
	s11 =	sadd.s32 $0x1A00, s17;
	[sflag:s4] =	ssyncadd.s32 $0xFFFFFE00  }
0x1a: {  	[tilespmem:s12], [sflag:$0x1] =	stream.indirect.gather [hbm4b:s11+s6], $0x20, s2, s6, $0xb8;
	[tilespmem:$0x10800] =	vst v63  }
0x1b: {  	s14 =	simm.s32 $0x4800;
	s13 =	sadd.s32 $0x187400, s17  }
0x1c: {  	[tilespmem:s14], [sflag:$0x2] =	stream.indirect.gather [hbm4b:s13+s6], $0x20, s6, s6, $0xb8;
	[tilespmem:$0x10800] =	vst v63  }
0x1d: {  	s16 =	simm.s32 $0x8800;
	s15 =	sadd.s32 $0xA00, s17  }
0x1e: {  	[tilespmem:s16], [sflag:$0x3] =	stream.indirect.gather [hbm4b:s15+s6], $0x20, s10, s6, $0xb8;
	[tilespmem:$0x10800] =	vst v63  }
0x1f: {  	s18 =	simm.s32 $0xC800;
	s19 =	simm.s32 $0x1;
	s17 =	sadd.s32 $0xF42E00, s17  }
0x20: {  	[tilespmem:s18], [sflag:$0x4] =	stream.indirect.gather [hbm4b:s17+s6], $0x20, s8, s6, $0xb8;
	[tilespmem:$0x10800] =	vst v63  }
0x21: {  	_ =	swait.ge [sflag:s19], $0x4000  }
0x22: {  	s21 =	sshll.u32 s21, $0x2;
	[sflag:s19] =	ssyncset.done $0x0  }
0x23: {  	s20 =	sadd.s32 s20, s21;
	s21 =	simm.s32 $0x2;
	[sflag:s19] =	ssyncadd.s32 $0xFFFFC000  }
0x24: {  	[hbm4b:s20+s2] =	stream.linear.scatter [tilespmem:s12], [sflag:$0x5], $0x4000, $0x38;
	[tilespmem:$0x10800] =	vst v63  }
0x25: {  	_ =	swait.ge [sflag:s21], $0x4000  }
0x26: {  	[sflag:s21] =	ssyncset.done $0x0  }
0x27: {  	s23 =	simm.s32 $0x4;
	s22 =	sadd.s32 $0x10000, s20;
	[sflag:s21] =	ssyncadd.s32 $0xFFFFC000  }
0x28: {  	[hbm4b:s22+s2] =	stream.linear.scatter [tilespmem:s14], [sflag:$0x5], $0x4000, $0x38;
	[tilespmem:$0x10800] =	vst v63  }
0x29: {  	_ =	swait.ge [sflag:s23], $0x4000  }
0x2a: {  	[sflag:s23] =	ssyncset.done $0x0  }
0x2b: {  	s25 =	simm.s32 $0x3;
	s24 =	sadd.s32 $0x20000, s20;
	[sflag:s23] =	ssyncadd.s32 $0xFFFFC000  }
0x2c: {  	[hbm4b:s24+s2] =	stream.linear.scatter [tilespmem:s18], [sflag:$0x5], $0x4000, $0x38;
	[tilespmem:$0x10800] =	vst v63  }
0x2d: {  	_ =	swait.ge [sflag:s25], $0x4000  }
0x2e: {  	[sflag:s25] =	ssyncset.done $0x0  }
0x2f: {  	s28 =	simm.s32 $0x5;
	s26 =	sadd.s32 $0x30000, s20;
	[sflag:s25] =	ssyncadd.s32 $0xFFFFC000  }
0x30: {  	[hbm4b:s26+s2] =	stream.linear.scatter [tilespmem:s16], [sflag:$0x5], $0x4000, $0x38;
	[tilespmem:$0x10800] =	vst v63  }
0x31: {  	_ =	swait.ge [sflag:s28], $0x4000  }
0x32: {  	s29 =	ssub.s32 $0x2, s29;
	[sflag:s28] =	ssyncset.done $0x0  }
0x33: {  	s30 =	sshrl.u32 s29, $0x1;
	[sflag:s28] =	ssyncadd.s32 $0xFFFFC000  }
0x34: {  	s29 =	ssub.s32 s29, s30;
	_ =	swait.ge [sflag:s28], $0x4000  }
0x35: {  	s29 =	smax.u32 s29, $0x1;
	[sflag:s28] =	ssyncset.done $0x0  }
0x36: {  	p0 =	sne.s32 s29, $0x1;
	[sflag:s28] =	ssyncadd.s32 $0xFFFFC000  }
.Ltmp0:
0x37: {  	_ =	swait.ge [sflag:s28], $0x4000;
	(pc) =	sbr.rel @!p0 .LBB2_2-.Ltmp0, $4  }
0x38: {  	[sflag:s28] =	ssyncset.done $0x0  }
0x39: {  	[sflag:s28] =	ssyncadd.s32 $0xFFFFC000  }
0x3a: {  	_ =	swait.ge [sflag:s28], $0x4000  }
0x3b: {  	s29 =	sadd.s32 $0xFFFFFFFF, s29;
	[sflag:s28] =	ssyncset.done $0x0  }
.LBB2_1:
0x3c: {  	p0 =	sne.s32 s29, $0x1;
	s29 =	sadd.s32 $0xFFFFFFFF, s29;
	[sflag:s28] =	ssyncadd.s32 $0xFFFFC000  }
0x3d: {  	[tilespmem:s2], [sflag:$0x6] =	stream.linear.gather [hbm4b:s3+s2], $0x200, $0x38;
	[tilespmem:$0x10800] =	vst v63  }
0x3e: {  	_ =	swait.ge [sflag:s4], $0x200  }
0x3f: {  	[sflag:s4] =	ssyncset.done $0x0  }
0x40: {  	[sflag:s4] =	ssyncadd.s32 $0xFFFFFE00  }
0x41: {  	[tilespmem:s6], [sflag:$0x6] =	stream.linear.gather [hbm4b:s5+s2], $0x200, $0x38;
	[tilespmem:$0x10800] =	vst v63  }
0x42: {  	_ =	swait.ge [sflag:s4], $0x200  }
0x43: {  	[sflag:s4] =	ssyncset.done $0x0  }
0x44: {  	[sflag:s4] =	ssyncadd.s32 $0xFFFFFE00  }
0x45: {  	[tilespmem:s8], [sflag:$0x6] =	stream.linear.gather [hbm4b:s7+s2], $0x200, $0x38;
	[tilespmem:$0x10800] =	vst v63  }
0x46: {  	_ =	swait.ge [sflag:s4], $0x200  }
0x47: {  	[sflag:s4] =	ssyncset.done $0x0  }
0x48: {  	[sflag:s4] =	ssyncadd.s32 $0xFFFFFE00  }
0x49: {  	[tilespmem:s10], [sflag:$0x6] =	stream.linear.gather [hbm4b:s9+s2], $0x200, $0x38;
	[tilespmem:$0x10800] =	vst v63  }
0x4a: {  	_ =	swait.ge [sflag:s4], $0x200  }
0x4b: {  	[sflag:s4] =	ssyncset.done $0x0  }
0x4c: {  	[sflag:s4] =	ssyncadd.s32 $0xFFFFFE00  }
0x4d: {  	[tilespmem:s12], [sflag:$0x1] =	stream.indirect.gather [hbm4b:s11+s6], $0x20, s2, s6, $0xb8;
	[tilespmem:$0x10800] =	vst v63  }
0x4e: {  	_ = 	snop  }
0x4f: {  	[tilespmem:s14], [sflag:$0x2] =	stream.indirect.gather [hbm4b:s13+s6], $0x20, s6, s6, $0xb8;
	[tilespmem:$0x10800] =	vst v63  }
0x50: {  	_ = 	snop  }
0x51: {  	[tilespmem:s16], [sflag:$0x3] =	stream.indirect.gather [hbm4b:s15+s6], $0x20, s10, s6, $0xb8;
	[tilespmem:$0x10800] =	vst v63  }
0x52: {  	_ = 	snop  }
0x53: {  	[tilespmem:s18], [sflag:$0x4] =	stream.indirect.gather [hbm4b:s17+s6], $0x20, s8, s6, $0xb8;
	[tilespmem:$0x10800] =	vst v63  }
0x54: {  	_ =	swait.ge [sflag:s19], $0x4000  }
0x55: {  	[sflag:s19] =	ssyncset.done $0x0  }
0x56: {  	[sflag:s19] =	ssyncadd.s32 $0xFFFFC000  }
0x57: {  	[hbm4b:s20+s2] =	stream.linear.scatter [tilespmem:s12], [sflag:$0x5], $0x4000, $0x38;
	[tilespmem:$0x10800] =	vst v63  }
0x58: {  	_ =	swait.ge [sflag:s21], $0x4000  }
0x59: {  	[sflag:s21] =	ssyncset.done $0x0  }
0x5a: {  	[sflag:s21] =	ssyncadd.s32 $0xFFFFC000  }
0x5b: {  	[hbm4b:s22+s2] =	stream.linear.scatter [tilespmem:s14], [sflag:$0x5], $0x4000, $0x38;
	[tilespmem:$0x10800] =	vst v63  }
0x5c: {  	_ =	swait.ge [sflag:s23], $0x4000  }
0x5d: {  	[sflag:s23] =	ssyncset.done $0x0  }
0x5e: {  	[sflag:s23] =	ssyncadd.s32 $0xFFFFC000  }
0x5f: {  	[hbm4b:s24+s2] =	stream.linear.scatter [tilespmem:s18], [sflag:$0x5], $0x4000, $0x38;
	[tilespmem:$0x10800] =	vst v63  }
0x60: {  	_ =	swait.ge [sflag:s25], $0x4000  }
0x61: {  	[sflag:s25] =	ssyncset.done $0x0  }
0x62: {  	[sflag:s25] =	ssyncadd.s32 $0xFFFFC000  }
0x63: {  	[hbm4b:s26+s2] =	stream.linear.scatter [tilespmem:s16], [sflag:$0x5], $0x4000, $0x38;
	[tilespmem:$0x10800] =	vst v63  }
0x64: {  	_ =	swait.ge [sflag:s28], $0x4000  }
0x65: {  	[sflag:s28] =	ssyncset.done $0x0  }
0x66: {  	[sflag:s28] =	ssyncadd.s32 $0xFFFFC000  }
0x67: {  	_ =	swait.ge [sflag:s28], $0x4000  }
0x68: {  	[sflag:s28] =	ssyncset.done $0x0  }
0x69: {  	[sflag:s28] =	ssyncadd.s32 $0xFFFFC000  }
.Ltmp1:
0x6a: {  	_ =	swait.ge [sflag:s28], $0x4000;
	(pc) =	sbr.rel @p0 .LBB2_1-.Ltmp1, $4  }
0x6b: {  	[sflag:s28] =	ssyncset.done $0x0  }
0x6c: {  	[sflag:s28] =	ssyncadd.s32 $0xFFFFC000  }
0x6d: {  	_ =	swait.ge [sflag:s28], $0x4000  }
0x6e: {  	[sflag:s28] =	ssyncset.done $0x0  }
.LBB2_2:
0x6f: {  	[sflag:s28] =	ssyncadd.s32 $0xFFFFC000  }
0x70: {  	_ =	sfence.sel $0x180000  }
0x71: {  	[bflag:$0x0] =	sbarrier.arrive $0xFFFF  }
0x72: {  	p0 =	sne.s32 s0, $0x0;
	_ =	strace $0x90000047  }
0x73: {  	s0 =	sadd.s32 @!p0 $0x100000, s1;
	[bflag:$0x2] =	sbarrier.arrive $0xFFFF  }
0x74: {  	[sflag:s0] =	ssyncadd.tile.s32 @!p0 $0x1;
	_ =	shalt  }
.Lfunc_end2:
_tile_overlayer_lowered:
.L_overlay_start_2:
0x75: {  	(tag) =	ssettag $0x2  }
0x76: {  	s0 =	rddreg [dreg:$0x0];
	s2 =	stileid.u32  }
0x77: {  	s1 =	rddreg [dreg:$0x1];
	p0 =	sne.s32 s2, $0x0  }
0x78: {  	s3 =	rddreg [dreg:$0x2];
	[bflag:$0x3] =	sbarrier.arrive $0xFFFF;
	s2 =	simm.s32 @!p0 $0x1C06  }
0x79: {  	[timem:s3], [sflag:s2] =	dma.local @!p0 [hbm:s0], s1  }
0x7a: {  	s0 =	simm.s32 @!p0 $0x6  }
0x7b: {  	_ =	swait.ge @!p0 [sflag:s0], s1  }
0x7c: {  	s1 =	ssub.s32 @!p0 $0x0, s1;
	[sflag:s0] =	ssyncset.done @!p0 $0x0  }
0x7d: {  	[sflag:s0] =	ssyncadd.s32 @!p0 s1  }
0x7e: {  	[bflag:$0x3] =	sbarrier.arrive $0xFFFF  }
0x7f: {  	_ =	shalt  }

</sc_bundles>
